<compile_context>
chip_gen: v7x
topology: tpu7x:2x2x1
jax: 0.10.2.dev20260603
libtpu: 0.0.44.dev20260713+nightly
codegen_flags: <defaults>
</compile_context>

<pallas_src>
import functools

import jax
import jax.numpy as jnp
from jax import lax
from jax.experimental import pallas as pl
from jax.experimental.pallas import tpu as pltpu
from jax.experimental.pallas import tpu_sc as plsc

BQ = 1024
BK = 5000
CHUNK_BLOCKS = 1


def _round_bf16(v):
    u = lax.bitcast_convert_type(v, jnp.uint32)
    r = (u + jnp.uint32(0x7FFF) + ((u >> jnp.uint32(16)) & jnp.uint32(1))) \
        & jnp.uint32(0xFFFF0000)
    return lax.bitcast_convert_type(r, jnp.float32)


def _argmin_body(xsq_ref, xm2_ref, p_ref, psq_ref, idx_ref,
                 cmin_ref, cidx_ref, rmin_ref, ridx_ref):
    ki = pl.program_id(1)
    nk = pl.num_programs(1)

    @pl.when(ki == 0)
    def _init():
        rmin_ref[...] = jnp.full((BQ, 1), jnp.inf, jnp.float32)
        ridx_ref[...] = jnp.zeros((BQ, 1), jnp.int32)

    @pl.when(ki % CHUNK_BLOCKS == 0)
    def _init_chunk():
        cmin_ref[...] = jnp.full((BQ, 1), jnp.inf, jnp.float32)
        cidx_ref[...] = jnp.zeros((BQ, 1), jnp.int32)

    xp = lax.dot_general(
        xm2_ref[...], p_ref[...],
        dimension_numbers=(((1,), (1,)), ((), ())),
        preferred_element_type=jnp.float32,
    )
    dist = (xsq_ref[...] + xp) + psq_ref[...].reshape(1, BK)

    m = jnp.min(dist, axis=1, keepdims=True)
    col = lax.broadcasted_iota(jnp.int32, (BQ, BK), 1)
    idxb = jnp.min(jnp.where(dist == m, col, jnp.int32(2**30)),
                   axis=1, keepdims=True) + ki * BK
    better = m < cmin_ref[...]
    cidx_ref[...] = jnp.where(better, idxb, cidx_ref[...])
    cmin_ref[...] = jnp.where(better, m, cmin_ref[...])

    @pl.when(ki % CHUNK_BLOCKS == CHUNK_BLOCKS - 1)
    def _merge_chunk():
        cm = cmin_ref[...]
        upd = cm < rmin_ref[...]
        ridx_ref[...] = jnp.where(upd, cidx_ref[...], ridx_ref[...])
        rmin_ref[...] = jnp.where(upd, _round_bf16(cm), rmin_ref[...])

    @pl.when(ki == nk - 1)
    def _emit():
        idx_ref[...] = ridx_ref[...]


def _nn_indices(x_sq, xm2, p_pad, psq_pad):
    q = xm2.shape[0]
    k_pad, d = p_pad.shape
    grid = (q // BQ, k_pad // BK)
    return pl.pallas_call(
        _argmin_body,
        grid=grid,
        in_specs=[
            pl.BlockSpec((BQ, 1), lambda qi, ki: (qi, 0)),
            pl.BlockSpec((BQ, d), lambda qi, ki: (qi, 0)),
            pl.BlockSpec((BK, d), lambda qi, ki: (ki, 0)),
            pl.BlockSpec((1, 1, BK), lambda qi, ki: (ki, 0, 0)),
        ],
        out_specs=pl.BlockSpec((BQ, 1), lambda qi, ki: (qi, 0)),
        out_shape=jax.ShapeDtypeStruct((q, 1), jnp.int32),
        scratch_shapes=[
            pltpu.VMEM((BQ, 1), jnp.float32),
            pltpu.VMEM((BQ, 1), jnp.int32),
            pltpu.VMEM((BQ, 1), jnp.float32),
            pltpu.VMEM((BQ, 1), jnp.int32),
        ],
        compiler_params=pltpu.CompilerParams(
            dimension_semantics=("parallel", "arbitrary"),
        ),
    )(x_sq, xm2, p_pad, psq_pad)


def _sc_gather(prototypes, indices):
    q = indices.shape[0]
    d = prototypes.shape[1]
    try:
        info = plsc.get_sparse_core_info()
        nc, ns = info.num_cores, info.num_subcores
    except Exception:
        nc, ns = 2, 16
    nw = nc * ns
    bpw = q // nw
    mesh = plsc.VectorSubcoreMesh(core_axis_name="c", subcore_axis_name="s")

    @functools.partial(
        pl.kernel,
        mesh=mesh,
        out_type=jax.ShapeDtypeStruct((q, d), jnp.float32),
        scratch_types=[
            pltpu.VMEM((bpw,), jnp.int32),
            pltpu.VMEM((bpw, d), jnp.float32),
            pltpu.SemaphoreType.DMA,
        ],
    )
    def gather_kernel(table_hbm, idx_hbm, out_hbm, idx_v, rows_v, sem):
        wid = lax.axis_index("s") * nc + lax.axis_index("c")
        base = wid * bpw
        pltpu.sync_copy(idx_hbm.at[pl.ds(base, bpw)], idx_v)
        pltpu.async_copy(table_hbm.at[idx_v], rows_v, sem).wait()
        pltpu.sync_copy(rows_v, out_hbm.at[pl.ds(base, bpw)])

    return gather_kernel(prototypes, indices)


def kernel(x, prototypes):
    q, d = x.shape
    k = prototypes.shape[0]
    k_pad = ((k + BK - 1) // BK) * BK

    x_sq = jnp.sum(x * x, axis=1, keepdims=True)
    p_sq = jnp.sum(prototypes * prototypes, axis=1)
    xm2 = (x * jnp.float32(-2.0)).astype(jnp.bfloat16)
    p_pad = jnp.pad(prototypes.astype(jnp.bfloat16), ((0, k_pad - k), (0, 0)))
    psq_pad = jnp.pad(p_sq, (0, k_pad - k),
                      constant_values=jnp.inf).reshape(k_pad // BK, 1, BK)

    idx = _nn_indices(x_sq, xm2, p_pad, psq_pad).reshape(q)
    return _sc_gather(prototypes, idx)

# --- scband reference (transcript-rebuilt; emitter-appended) ---
"""Pipeline reference for scband-amm-38302518345900 (READ-ONLY COPY).

The authoritative reference and input builder live on the scoring server;
editing this copy changes nothing except your own understanding.
"""

import jax, jax.numpy as jnp
import numpy as np

Q = 4096
K = 100000
D = 128

def setup_inputs(seed: int = 0) -> dict:
    key = jax.random.key(seed)
    k1, k2 = jax.random.split(key)
    x = jax.random.normal(k1, (Q, D), dtype=jnp.float32)
    prototypes = jax.random.normal(k2, (K, D), dtype=jnp.float32)
    return {"x": x, "prototypes": prototypes}

def reference(x, prototypes):
    # Faithful translation of AMM.forward: exact 1-NN L2 search over the
    # prototype set (faiss.IndexFlatL2.search with k=1), then gather the
    # matched prototype vectors and return them stacked [Q, D].
    x_sq = jnp.sum(x * x, axis=1, keepdims=True)            # [Q, 1]
    p_sq = jnp.sum(prototypes * prototypes, axis=1)          # [K]
    dists = x_sq - 2.0 * (x @ prototypes.T) + p_sq[None, :]  # [Q, K] squared L2
    indices = jnp.argmin(dists, axis=1)                      # [Q], k=1 nearest
    # gather matched prototypes (equivalent to prototype_data[0][idx] stack)
    out = jnp.take(prototypes, indices, axis=0)              # [Q, D]
    return out

if __name__ == "__main__":
    import jax
    _d = setup_inputs()
    print(jax.jit(kernel)(*tuple(_d.values())))

</pallas_src>

<mosaic_0001>
#map = affine_map<(d0, d1) -> (0, 0)>
#map1 = affine_map<(d0, d1) -> (0)>
module attributes {stable_mosaic.version = 14 : i64} {
  func.func @gather_kernel(%arg0: i32, %arg1: i32, %arg2: memref<100000x128xf32, #tpu.memory_space<hbm>>, %arg3: memref<4096xi32, #tpu.memory_space<hbm>>, %arg4: memref<4096x128xf32, #tpu.memory_space<hbm>>, %arg5: memref<128xi32, #tpu.memory_space<vmem>>, %arg6: memref<128x128xf32, #tpu.memory_space<vmem>>, %arg7: memref<!tpu.dma_semaphore, #tpu.memory_space<semaphore_mem>>) attributes {dimension_semantics = [#tpu.dimension_semantics<core_parallel>, #tpu.dimension_semantics<subcore_parallel>], iteration_bounds = array<i64: 2, 16>, scalar_prefetch = 0 : i64, scratch_operands = 3 : i64, tpu.core_type = #tpu.core_type<sc_vector_subcore>, window_params = [{transform_indices = #map}, {transform_indices = #map1}, {transform_indices = #map}]} {
    %mul3A = arith.constant 2 : i32
    %mul3A_0 = arith.muli %arg1, %mul3A : i32
    %add3A = arith.addi %mul3A_0, %arg0 : i32
    %mul3A_1 = arith.constant 128 : i32
    %mul3A_2 = arith.muli %add3A, %mul3A_1 : i32
    "tpu.region"() ({
      %run_scoped3A = tpu.sem_alloc : memref<!tpu.dma_semaphore, #tpu.memory_space<semaphore_mem>>
      %dma_start3A_7 = tpu.memref_slice %arg3[%mul3A_2] : memref<4096xi32, #tpu.memory_space<hbm>> -> memref<128xi32, #tpu.memory_space<hbm>>
      %dma_start3A_8 = tpu.memref_slice %arg3[%mul3A_2] : memref<4096xi32, #tpu.memory_space<hbm>> -> memref<128xi32, #tpu.memory_space<hbm>>
      tpu.enqueue_dma source(%dma_start3A_8 : memref<128xi32, #tpu.memory_space<hbm>>) target(%arg5 : memref<128xi32, #tpu.memory_space<vmem>>) target_semaphore(%run_scoped3A : memref<!tpu.dma_semaphore, #tpu.memory_space<semaphore_mem>>)
      %dma_wait3A_9 = tpu.memref_slice %arg3[%mul3A_2] : memref<4096xi32, #tpu.memory_space<hbm>> -> memref<128xi32, #tpu.memory_space<hbm>>
      %dma_wait3A_10 = tpu.memref_slice %arg3[%mul3A_2] : memref<4096xi32, #tpu.memory_space<hbm>> -> memref<128xi32, #tpu.memory_space<hbm>>
      tpu.wait_dma2 semaphore(%run_scoped3A : memref<!tpu.dma_semaphore, #tpu.memory_space<semaphore_mem>>) src(%dma_wait3A_10 : memref<128xi32, #tpu.memory_space<hbm>>) dst(%arg5 : memref<128xi32, #tpu.memory_space<vmem>>)
      tpu.yield
    }) : () -> ()
    %dma_start3A = arith.constant 0 : i32
    %dma_start3A_3 = arith.constant 0 : i32
    %dma_start3A_4 = tpu.memref_slice %arg2[%dma_start3A, %dma_start3A_3] : memref<100000x128xf32, #tpu.memory_space<hbm>> -> memref<100000x128xf32, #tpu.memory_space<hbm>>
    tpu.enqueue_indirect_dma source(%dma_start3A_4 : memref<100000x128xf32, #tpu.memory_space<hbm>>) target(%arg6 : memref<128x128xf32, #tpu.memory_space<vmem>>) offsets(%arg5 : memref<128xi32, #tpu.memory_space<vmem>>) semaphore(%arg7 : memref<!tpu.dma_semaphore, #tpu.memory_space<semaphore_mem>>)
    %dma_wait3A = arith.constant 0 : i32
    %dma_wait3A_5 = arith.constant 0 : i32
    %dma_wait3A_6 = tpu.memref_slice %arg2[%dma_wait3A, %dma_wait3A_5] : memref<100000x128xf32, #tpu.memory_space<hbm>> -> memref<100000x128xf32, #tpu.memory_space<hbm>>
    tpu.wait_indirect_dma semaphore(%arg7 : memref<!tpu.dma_semaphore, #tpu.memory_space<semaphore_mem>>) src(%dma_wait3A_6 : memref<100000x128xf32, #tpu.memory_space<hbm>>) dst(%arg6 : memref<128x128xf32, #tpu.memory_space<vmem>>)
    "tpu.region"() ({
      %run_scoped3A = tpu.sem_alloc : memref<!tpu.dma_semaphore, #tpu.memory_space<semaphore_mem>>
      %dma_start3A_7 = arith.constant 0 : i32
      %dma_start3A_8 = tpu.memref_slice %arg4[%mul3A_2, %dma_start3A_7] : memref<4096x128xf32, #tpu.memory_space<hbm>> -> memref<128x128xf32, #tpu.memory_space<hbm>>
      %dma_start3A_9 = arith.constant 0 : i32
      %dma_start3A_10 = tpu.memref_slice %arg4[%mul3A_2, %dma_start3A_9] : memref<4096x128xf32, #tpu.memory_space<hbm>> -> memref<128x128xf32, #tpu.memory_space<hbm>>
      tpu.enqueue_dma source(%arg6 : memref<128x128xf32, #tpu.memory_space<vmem>>) target(%dma_start3A_10 : memref<128x128xf32, #tpu.memory_space<hbm>>) target_semaphore(%run_scoped3A : memref<!tpu.dma_semaphore, #tpu.memory_space<semaphore_mem>>)
      %dma_wait3A_11 = arith.constant 0 : i32
      %dma_wait3A_12 = tpu.memref_slice %arg4[%mul3A_2, %dma_wait3A_11] : memref<4096x128xf32, #tpu.memory_space<hbm>> -> memref<128x128xf32, #tpu.memory_space<hbm>>
      %dma_wait3A_13 = arith.constant 0 : i32
      %dma_wait3A_14 = tpu.memref_slice %arg4[%mul3A_2, %dma_wait3A_13] : memref<4096x128xf32, #tpu.memory_space<hbm>> -> memref<128x128xf32, #tpu.memory_space<hbm>>
      tpu.wait_dma2 semaphore(%run_scoped3A : memref<!tpu.dma_semaphore, #tpu.memory_space<semaphore_mem>>) src(%arg6 : memref<128x128xf32, #tpu.memory_space<vmem>>) dst(%dma_wait3A_14 : memref<128x128xf32, #tpu.memory_space<hbm>>)
      tpu.yield
    }) : () -> ()
    return
  }
}

module attributes {stable_mosaic.version = 14 : i64} {
  func.func @_argmin_body(%arg0: i32, %arg1: i32, %arg2: memref<1024x1xf32, #tpu.memory_space<vmem>>, %arg3: memref<1024x128xbf16, #tpu.memory_space<vmem>>, %arg4: memref<5000x128xbf16, #tpu.memory_space<vmem>>, %arg5: memref<1x1x5000xf32, #tpu.memory_space<vmem>>, %arg6: memref<1024x1xi32, #tpu.memory_space<vmem>>, %arg7: memref<1024x1xf32, #tpu.memory_space<vmem>>, %arg8: memref<1024x1xi32, #tpu.memory_space<vmem>>, %arg9: memref<1024x1xf32, #tpu.memory_space<vmem>>, %arg10: memref<1024x1xi32, #tpu.memory_space<vmem>>) attributes {dimension_semantics = [#tpu.dimension_semantics<parallel>, #tpu.dimension_semantics<arbitrary>], iteration_bounds = array<i64: 4, 20>, scalar_prefetch = 0 : i64, scratch_operands = 4 : i64, tpu.core_type = #tpu.core_type<tc>, window_params = [{transform_indices = @transform_0, window_bounds = array<i64: 1024, 1>}, {transform_indices = @transform_1, window_bounds = array<i64: 1024, 128>}, {transform_indices = @transform_2, window_bounds = array<i64: 5000, 128>}, {transform_indices = @transform_3, window_bounds = array<i64: 1, 1, 5000>}, {transform_indices = @transform_4, window_bounds = array<i64: 1024, 1>}]} {
    %eq3A = arith.constant 0 : i32
    %eq3A_0 = arith.cmpi eq, %arg1, %eq3A : i32
    %convert_element_type3A = arith.extui %eq3A_0 : i1 to i32
    %cond3A = arith.constant 0 : i32
    %cond3A_1 = arith.cmpi ne, %convert_element_type3A, %cond3A : i32
    scf.if %cond3A_1 {
      %broadcast_in_dim3A_88 = arith.constant 0x7F800000 : f32
      %broadcast_in_dim3A_89 = vector.broadcast %broadcast_in_dim3A_88 : f32 to vector<1024x1xf32>
      %swap3A_90 = arith.constant 0 : index
      %swap3A_91 = arith.constant 0 : index
      %swap3A_92 = vector.load %arg9[%swap3A_90, %swap3A_91] : memref<1024x1xf32, #tpu.memory_space<vmem>>, vector<1024x1xf32>
      tpu.vector_store %arg9[%swap3A_90, %swap3A_91], %broadcast_in_dim3A_89 {strides = array<i32>} : memref<1024x1xf32, #tpu.memory_space<vmem>>, vector<1024x1xf32>,
      %broadcast_in_dim3A_93 = arith.constant 0 : i32
      %broadcast_in_dim3A_94 = vector.broadcast %broadcast_in_dim3A_93 : i32 to vector<1024x1xi32>
      %swap3A_95 = arith.constant 0 : index
      %swap3A_96 = arith.constant 0 : index
      %swap3A_97 = vector.load %arg10[%swap3A_95, %swap3A_96] : memref<1024x1xi32, #tpu.memory_space<vmem>>, vector<1024x1xi32>
      tpu.vector_store %arg10[%swap3A_95, %swap3A_96], %broadcast_in_dim3A_94 {strides = array<i32>} : memref<1024x1xi32, #tpu.memory_space<vmem>>, vector<1024x1xi32>,
    } else {
    }
    %jit3A = arith.constant 1 : i32
    %eq3A_2 = arith.constant 0 : i32
    %eq3A_3 = arith.cmpi eq, %jit3A, %eq3A_2 : i32
    %jit3A_4 = arith.constant 1 : i32
    %select_n3A = arith.select %eq3A_3, %jit3A_4, %jit3A : i32
    %rem3A = arith.remsi %arg1, %select_n3A : i32
    %ne3A = arith.constant 0 : i32
    %ne3A_5 = arith.cmpi ne, %rem3A, %ne3A : i32
    %lt3A = arith.constant 0 : i32
    %lt3A_6 = arith.cmpi slt, %rem3A, %lt3A : i32
    %lt3A_7 = arith.constant 0 : i32
    %lt3A_8 = arith.cmpi slt, %select_n3A, %lt3A_7 : i32
    %ne3A_9 = arith.xori %lt3A_6, %lt3A_8 : i1
    %and3A = arith.andi %ne3A_9, %ne3A_5 : i1
    %add3A = arith.addi %rem3A, %select_n3A : i32
    %select_n3A_10 = arith.select %and3A, %add3A, %rem3A : i32
    %eq3A_11 = arith.constant 0 : i32
    %eq3A_12 = arith.cmpi eq, %select_n3A_10, %eq3A_11 : i32
    %convert_element_type3A_13 = arith.extui %eq3A_12 : i1 to i32
    %cond3A_14 = arith.constant 0 : i32
    %cond3A_15 = arith.cmpi ne, %convert_element_type3A_13, %cond3A_14 : i32
    scf.if %cond3A_15 {
      %broadcast_in_dim3A_88 = arith.constant 0x7F800000 : f32
      %broadcast_in_dim3A_89 = vector.broadcast %broadcast_in_dim3A_88 : f32 to vector<1024x1xf32>
      %swap3A_90 = arith.constant 0 : index
      %swap3A_91 = arith.constant 0 : index
      %swap3A_92 = vector.load %arg7[%swap3A_90, %swap3A_91] : memref<1024x1xf32, #tpu.memory_space<vmem>>, vector<1024x1xf32>
      tpu.vector_store %arg7[%swap3A_90, %swap3A_91], %broadcast_in_dim3A_89 {strides = array<i32>} : memref<1024x1xf32, #tpu.memory_space<vmem>>, vector<1024x1xf32>,
      %broadcast_in_dim3A_93 = arith.constant 0 : i32
      %broadcast_in_dim3A_94 = vector.broadcast %broadcast_in_dim3A_93 : i32 to vector<1024x1xi32>
      %swap3A_95 = arith.constant 0 : index
      %swap3A_96 = arith.constant 0 : index
      %swap3A_97 = vector.load %arg8[%swap3A_95, %swap3A_96] : memref<1024x1xi32, #tpu.memory_space<vmem>>, vector<1024x1xi32>
      tpu.vector_store %arg8[%swap3A_95, %swap3A_96], %broadcast_in_dim3A_94 {strides = array<i32>} : memref<1024x1xi32, #tpu.memory_space<vmem>>, vector<1024x1xi32>,
    } else {
    }
    %get3A = arith.constant 0 : index
    %get3A_16 = arith.constant 0 : index
    %get3A_17 = vector.load %arg3[%get3A, %get3A_16] : memref<1024x128xbf16, #tpu.memory_space<vmem>>, vector<1024x128xbf16>
    %get3A_18 = arith.constant 0 : index
    %get3A_19 = arith.constant 0 : index
    %get3A_20 = vector.load %arg4[%get3A_18, %get3A_19] : memref<5000x128xbf16, #tpu.memory_space<vmem>>, vector<5000x128xbf16>
    %dot_general3A = arith.constant dense<0.000000e+00> : vector<1024x5000xf32>
    %dot_general3A_21 = tpu.matmul %get3A_17, %get3A_20, %dot_general3A {dimension_numbers = #tpu.dot_dimension_numbers<[1], [1], [0], [0], [0, 0, 1, 0], [], []>, transpose_lhs_hint = false} : vector<1024x128xbf16>, vector<5000x128xbf16>, vector<1024x5000xf32> -> vector<1024x5000xf32>
    %get3A_22 = arith.constant 0 : index
    %get3A_23 = arith.constant 0 : index
    %get3A_24 = vector.load %arg2[%get3A_22, %get3A_23] : memref<1024x1xf32, #tpu.memory_space<vmem>>, vector<1024x1xf32>
    %add3A_25 = vector.broadcast %get3A_24 : vector<1024x1xf32> to vector<1024x5000xf32>
    %add3A_26 = arith.addf %add3A_25, %dot_general3A_21 : vector<1024x5000xf32>
    %get3A_27 = arith.constant 0 : index
    %get3A_28 = arith.constant 0 : index
    %get3A_29 = arith.constant 0 : index
    %get3A_30 = vector.load %arg5[%get3A_27, %get3A_28, %get3A_29] : memref<1x1x5000xf32, #tpu.memory_space<vmem>>, vector<1x1x5000xf32>
    %reshape3A = vector.shape_cast %get3A_30 : vector<1x1x5000xf32> to vector<1x5000xf32>
    %add3A_31 = vector.broadcast %reshape3A : vector<1x5000xf32> to vector<1024x5000xf32>
    %add3A_32 = arith.addf %add3A_26, %add3A_31 : vector<1024x5000xf32>
    %reduce_min3A = arith.constant dense<0x7F800000> : vector<1024xf32>
    %reduce_min3A_33 = vector.multi_reduction <minimumf>, %add3A_32, %reduce_min3A [1] : vector<1024x5000xf32> to vector<1024xf32>
    %broadcast_in_dim3A = vector.shape_cast %reduce_min3A_33 : vector<1024xf32> to vector<1024x1xf32>
    %iota3A = tpu.iota {dimensions = array<i32: 1>} : vector<1024x5000xi32>
    %eq3A_34 = vector.broadcast %broadcast_in_dim3A : vector<1024x1xf32> to vector<1024x5000xf32>
    %eq3A_35 = arith.cmpf oeq, %add3A_32, %eq3A_34 : vector<1024x5000xf32>
    %jit3A_36 = arith.constant 1073741824 : i32
    %broadcast_in_dim3A_37 = vector.broadcast %jit3A_36 : i32 to vector<1024x5000xi32>
    %select_n3A_38 = arith.select %eq3A_35, %iota3A, %broadcast_in_dim3A_37 : vector<1024x5000xi1>, vector<1024x5000xi32>
    %reduce_min3A_39 = arith.constant dense<2147483647> : vector<1024xi32>
    %reduce_min3A_40 = vector.multi_reduction <minsi>, %select_n3A_38, %reduce_min3A_39 [1] : vector<1024x5000xi32> to vector<1024xi32>
    %broadcast_in_dim3A_41 = vector.shape_cast %reduce_min3A_40 : vector<1024xi32> to vector<1024x1xi32>
    %mul3A = arith.constant 5000 : i32
    %mul3A_42 = arith.muli %arg1, %mul3A : i32
    %add3A_43 = vector.broadcast %mul3A_42 : i32 to vector<1024x1xi32>
    %add3A_44 = arith.addi %broadcast_in_dim3A_41, %add3A_43 : vector<1024x1xi32>
    %get3A_45 = arith.constant 0 : index
    %get3A_46 = arith.constant 0 : index
    %get3A_47 = vector.load %arg7[%get3A_45, %get3A_46] : memref<1024x1xf32, #tpu.memory_space<vmem>>, vector<1024x1xf32>
    %lt3A_48 = arith.cmpf olt, %broadcast_in_dim3A, %get3A_47 : vector<1024x1xf32>
    %get3A_49 = arith.constant 0 : index
    %get3A_50 = arith.constant 0 : index
    %get3A_51 = vector.load %arg8[%get3A_49, %get3A_50] : memref<1024x1xi32, #tpu.memory_space<vmem>>, vector<1024x1xi32>
    %select_n3A_52 = arith.select %lt3A_48, %add3A_44, %get3A_51 : vector<1024x1xi1>, vector<1024x1xi32>
    %swap3A = arith.constant 0 : index
    %swap3A_53 = arith.constant 0 : index
    %swap3A_54 = vector.load %arg8[%swap3A, %swap3A_53] : memref<1024x1xi32, #tpu.memory_space<vmem>>, vector<1024x1xi32>
    tpu.vector_store %arg8[%swap3A, %swap3A_53], %select_n3A_52 {strides = array<i32>} : memref<1024x1xi32, #tpu.memory_space<vmem>>, vector<1024x1xi32>,
    %get3A_55 = arith.constant 0 : index
    %get3A_56 = arith.constant 0 : index
    %get3A_57 = vector.load %arg7[%get3A_55, %get3A_56] : memref<1024x1xf32, #tpu.memory_space<vmem>>, vector<1024x1xf32>
    %select_n3A_58 = arith.select %lt3A_48, %broadcast_in_dim3A, %get3A_57 : vector<1024x1xi1>, vector<1024x1xf32>
    %swap3A_59 = arith.constant 0 : index
    %swap3A_60 = arith.constant 0 : index
    %swap3A_61 = vector.load %arg7[%swap3A_59, %swap3A_60] : memref<1024x1xf32, #tpu.memory_space<vmem>>, vector<1024x1xf32>
    tpu.vector_store %arg7[%swap3A_59, %swap3A_60], %select_n3A_58 {strides = array<i32>} : memref<1024x1xf32, #tpu.memory_space<vmem>>, vector<1024x1xf32>,
    %jit3A_62 = arith.constant 1 : i32
    %eq3A_63 = arith.constant 0 : i32
    %eq3A_64 = arith.cmpi eq, %jit3A_62, %eq3A_63 : i32
    %jit3A_65 = arith.constant 1 : i32
    %select_n3A_66 = arith.select %eq3A_64, %jit3A_65, %jit3A_62 : i32
    %rem3A_67 = arith.remsi %arg1, %select_n3A_66 : i32
    %ne3A_68 = arith.constant 0 : i32
    %ne3A_69 = arith.cmpi ne, %rem3A_67, %ne3A_68 : i32
    %lt3A_70 = arith.constant 0 : i32
    %lt3A_71 = arith.cmpi slt, %rem3A_67, %lt3A_70 : i32
    %lt3A_72 = arith.constant 0 : i32
    %lt3A_73 = arith.cmpi slt, %select_n3A_66, %lt3A_72 : i32
    %ne3A_74 = arith.xori %lt3A_71, %lt3A_73 : i1
    %and3A_75 = arith.andi %ne3A_74, %ne3A_69 : i1
    %add3A_76 = arith.addi %rem3A_67, %select_n3A_66 : i32
    %select_n3A_77 = arith.select %and3A_75, %add3A_76, %rem3A_67 : i32
    %eq3A_78 = arith.constant 0 : i32
    %eq3A_79 = arith.cmpi eq, %select_n3A_77, %eq3A_78 : i32
    %convert_element_type3A_80 = arith.extui %eq3A_79 : i1 to i32
    %cond3A_81 = arith.constant 0 : i32
    %cond3A_82 = arith.cmpi ne, %convert_element_type3A_80, %cond3A_81 : i32
    scf.if %cond3A_82 {
      %get3A_88 = arith.constant 0 : index
      %get3A_89 = arith.constant 0 : index
      %get3A_90 = vector.load %arg7[%get3A_88, %get3A_89] : memref<1024x1xf32, #tpu.memory_space<vmem>>, vector<1024x1xf32>
      %get3A_91 = arith.constant 0 : index
      %get3A_92 = arith.constant 0 : index
      %get3A_93 = vector.load %arg9[%get3A_91, %get3A_92] : memref<1024x1xf32, #tpu.memory_space<vmem>>, vector<1024x1xf32>
      %lt3A_94 = arith.cmpf olt, %get3A_90, %get3A_93 : vector<1024x1xf32>
      %get3A_95 = arith.constant 0 : index
      %get3A_96 = arith.constant 0 : index
      %get3A_97 = vector.load %arg8[%get3A_95, %get3A_96] : memref<1024x1xi32, #tpu.memory_space<vmem>>, vector<1024x1xi32>
      %get3A_98 = arith.constant 0 : index
      %get3A_99 = arith.constant 0 : index
      %get3A_100 = vector.load %arg10[%get3A_98, %get3A_99] : memref<1024x1xi32, #tpu.memory_space<vmem>>, vector<1024x1xi32>
      %select_n3A_101 = arith.select %lt3A_94, %get3A_97, %get3A_100 : vector<1024x1xi1>, vector<1024x1xi32>
      %swap3A_102 = arith.constant 0 : index
      %swap3A_103 = arith.constant 0 : index
      %swap3A_104 = vector.load %arg10[%swap3A_102, %swap3A_103] : memref<1024x1xi32, #tpu.memory_space<vmem>>, vector<1024x1xi32>
      tpu.vector_store %arg10[%swap3A_102, %swap3A_103], %select_n3A_101 {strides = array<i32>} : memref<1024x1xi32, #tpu.memory_space<vmem>>, vector<1024x1xi32>,
      %bitcast_convert_type3A = tpu.bitcast %get3A_90 : vector<1024x1xf32> -> vector<1024x1xi32>
      %add3A_105 = arith.constant 32767 : i32
      %add3A_106 = vector.broadcast %add3A_105 : i32 to vector<1024x1xi32>
      %add3A_107 = arith.addi %bitcast_convert_type3A, %add3A_106 : vector<1024x1xi32>
      %shift_right_logical3A = arith.constant 16 : i32
      %shift_right_logical3A_108 = vector.broadcast %shift_right_logical3A : i32 to vector<1024x1xi32>
      %shift_right_logical3A_109 = arith.shrui %bitcast_convert_type3A, %shift_right_logical3A_108 : vector<1024x1xi32>
      %and3A_110 = arith.constant 1 : i32
      %and3A_111 = vector.broadcast %and3A_110 : i32 to vector<1024x1xi32>
      %and3A_112 = arith.andi %shift_right_logical3A_109, %and3A_111 : vector<1024x1xi32>
      %add3A_113 = arith.addi %add3A_107, %and3A_112 : vector<1024x1xi32>
      %and3A_114 = arith.constant -65536 : i32
      %and3A_115 = vector.broadcast %and3A_114 : i32 to vector<1024x1xi32>
      %and3A_116 = arith.andi %add3A_113, %and3A_115 : vector<1024x1xi32>
      %bitcast_convert_type3A_117 = tpu.bitcast %and3A_116 : vector<1024x1xi32> -> vector<1024x1xf32>
      %get3A_118 = arith.constant 0 : index
      %get3A_119 = arith.constant 0 : index
      %get3A_120 = vector.load %arg9[%get3A_118, %get3A_119] : memref<1024x1xf32, #tpu.memory_space<vmem>>, vector<1024x1xf32>
      %select_n3A_121 = arith.select %lt3A_94, %bitcast_convert_type3A_117, %get3A_120 : vector<1024x1xi1>, vector<1024x1xf32>
      %swap3A_122 = arith.constant 0 : index
      %swap3A_123 = arith.constant 0 : index
      %swap3A_124 = vector.load %arg9[%swap3A_122, %swap3A_123] : memref<1024x1xf32, #tpu.memory_space<vmem>>, vector<1024x1xf32>
      tpu.vector_store %arg9[%swap3A_122, %swap3A_123], %select_n3A_121 {strides = array<i32>} : memref<1024x1xf32, #tpu.memory_space<vmem>>, vector<1024x1xf32>,
    } else {
    }
    %eq3A_83 = arith.constant 19 : i32
    %eq3A_84 = arith.cmpi eq, %arg1, %eq3A_83 : i32
    %convert_element_type3A_85 = arith.extui %eq3A_84 : i1 to i32
    %cond3A_86 = arith.constant 0 : i32
    %cond3A_87 = arith.cmpi ne, %convert_element_type3A_85, %cond3A_86 : i32
    scf.if %cond3A_87 {
      %get3A_88 = arith.constant 0 : index
      %get3A_89 = arith.constant 0 : index
      %get3A_90 = vector.load %arg10[%get3A_88, %get3A_89] : memref<1024x1xi32, #tpu.memory_space<vmem>>, vector<1024x1xi32>
      %swap3A_91 = arith.constant 0 : index
      %swap3A_92 = arith.constant 0 : index
      %swap3A_93 = vector.load %arg6[%swap3A_91, %swap3A_92] : memref<1024x1xi32, #tpu.memory_space<vmem>>, vector<1024x1xi32>
      tpu.vector_store %arg6[%swap3A_91, %swap3A_92], %get3A_90 {strides = array<i32>} : memref<1024x1xi32, #tpu.memory_space<vmem>>, vector<1024x1xi32>,
    } else {
    }
    return
  }
  func.func @transform_0(%arg0: i32, %arg1: i32) -> (i32, i32) {
    %c0_i32 = arith.constant 0 : i32
    %c0_i32_0 = arith.constant 0 : i32
    return %arg0, %c0_i32 : i32, i32
  }
  func.func @transform_1(%arg0: i32, %arg1: i32) -> (i32, i32) {
    %c0_i32 = arith.constant 0 : i32
    %c0_i32_0 = arith.constant 0 : i32
    return %arg0, %c0_i32 : i32, i32
  }
  func.func @transform_2(%arg0: i32, %arg1: i32) -> (i32, i32) {
    %c0_i32 = arith.constant 0 : i32
    %c0_i32_0 = arith.constant 0 : i32
    return %arg1, %c0_i32 : i32, i32
  }
  func.func @transform_3(%arg0: i32, %arg1: i32) -> (i32, i32, i32) {
    %c0_i32 = arith.constant 0 : i32
    %c0_i32_0 = arith.constant 0 : i32
    %c0_i32_1 = arith.constant 0 : i32
    return %arg1, %c0_i32, %c0_i32_0 : i32, i32, i32
  }
  func.func @transform_4(%arg0: i32, %arg1: i32) -> (i32, i32) {
    %c0_i32 = arith.constant 0 : i32
    %c0_i32_0 = arith.constant 0 : i32
    return %arg0, %c0_i32 : i32, i32
  }
}

</mosaic_0001>

<sc_bundles>
// kernel: kernel.4.cloned.1.call-start
scs
__scs_entry_jumppad:
0x0: {  	(pc) =	sbr.rel $0x88, $3  }
0x1: {  	(tag) =	ssettag $0x0;
	lr =	simm.s32 $0x1  }
0x2: {  	[smem:$0x3F9F] =	sst lr;
	_ =	strace $0xD0000000  }
0x3: {  	_ = 	snop  }
0x4: {  	_ = 	snop  }
0x5: {  	_ = 	snop  }
0x6: {  	_ = 	snop  }
0x7: {  	_ = 	snop  }
__scs_overlays_trampoline_lowered:
0x8: {  	[smem:$0x3FAE] =	sst s0  }
0x9: {  	[smem:$0x3FAF] =	sst s1  }
0xa: {  	[smem:$0x3FB0] =	sst s2  }
0xb: {  	[smem:$0x3FB1] =	sst s3  }
0xc: {  	[smem:$0x3FB2] =	sst s4  }
0xd: {  	[smem:$0x3FB3] =	sst s5  }
0xe: {  	[smem:$0x3FB4] =	sst s6  }
0xf: {  	[smem:$0x3FB5] =	sst s7  }
0x10: {  	[smem:$0x3FB6] =	sst s8  }
0x11: {  	[smem:$0x3FB7] =	sst s9;
	s0 =	simm.s32 @!p0 $0x0  }
0x12: {  	s1 =	sld [smem:$0x3F9D];
	s0 =	simm.s32 @p0 $0x1  }
0x13: {  	[smem:$0x3FB8] =	sst s0;
	s0 =	simm.s32 @!p1 $0x0  }
0x14: {  	s2 =	sld [smem:$0x3F9C];
	s0 =	simm.s32 @p1 $0x1  }
0x15: {  	[smem:$0x3FB9] =	sst s0;
	s0 =	simm.s32 @!p2 $0x0  }
0x16: {  	s3 =	sld [smem:$0x3FDB];
	s0 =	simm.s32 @p2 $0x1  }
0x17: {  	s4 =	simm.s32 $0x1BF5;
	[smem:$0x3FBB] =	sst s0  }
0x18: {  	s0 =	sld [smem:$0x3F9E];
	_ =	swait.ge [sflag:s4], $0x0  }
0x19: {  	s7 =	sld [smem:$0x3F9F]  }
0x1a: {  	s8 =	sadd.s32 $0xFFFFE003, lr  }
0x1b: {  	s9 =	sadd.s32 $0xFFFFFEF7, lr;
	s5 =	simm.s32 $0xFFFFFFFF;
	p2 =	slt.u32 s8, $0xFFFFF086  }
0x1c: {  	p1 =	slt.u32 s9, $0xF7A;
	s5 =	simm.s32 @!p2 $0x0  }
0x1d: {  	s5 =	simm.s32 @p1 $0x1;
	p0 =	seq.s32 s7, s2  }
0x1e: {  	s7 =	smul.u32 @!p0 $0xF7A, s2;
	p2 =	seq.s32 @!p0 s5, $0x0  }
0x1f: {  	s9 =	smul.u32 $0xF7A, s1;
	s8 =	simm.s32 @!p0 $0x1BF5;
	p2 =	por !p2, p0  }
0x20: {  	[sflag:s8] =	ssyncset.s32 @!p0 $0xFFFFF086;
	s6 =	sadd.s32 @!p0 s3, s7;
	s7 =	simm.s32 @!p0 $0x108  }
0x21: {  	s3 =	sadd.s32 s3, s9;
	s6 =	sadd.s32 @!p0 $0x88, s6;
	s7 =	simm.s32 @p2 $0x1082  }
0x22: {  	[simem:s7], [sflag:s8] =	dma.local @!p0 [hbm:s6], $0xF7A  }
0x23: {  	s9 =	sor.u32 $0xD0000000, s2;
	s6 =	simm.s32 $0x108;
	_ =	swait.ge @!p0 [sflag:s8], $0x0  }
0x24: {  	s3 =	sadd.s32 $0x88, s3;
	s6 =	simm.s32 @!p1 $0x1082;
	[sflag:s4] =	ssyncset.s32 $0xFFFFF086  }
0x25: {  	[simem:s6], [sflag:s4] =	dma.local [hbm:s3], $0xF7A  }
0x26: {  	[smem:$0x3F9F] =	sst s1;
	(tag) =	ssettag s2;
	_ =	strace s9  }
0x27: {  	s1 =	sld [smem:$0x3FAF]  }
0x28: {  	s2 =	sld [smem:$0x3FB0]  }
0x29: {  	s4 =	sld [smem:$0x3FB2]  }
0x2a: {  	p0 =	seq.s32 s5, $0x0;
	s5 =	sld [smem:$0x3FB3]  }
0x2b: {  	s6 =	sld [smem:$0x3FB4]  }
0x2c: {  	s7 =	sld [smem:$0x3FB5]  }
0x2d: {  	s3 =	simm.s32 $0x108;
	s8 =	sld [smem:$0x3FB6]  }
0x2e: {  	s3 =	simm.s32 @!p0 $0x1082;
	s9 =	sld [smem:$0x3FB7]  }
0x2f: {  	lr =	sadd.s32 s0, s3;
	s0 =	sld [smem:$0x3FAE]  }
0x30: {  	s3 =	sld [smem:$0x3FB1]  }
0x31: {  	[smem:$0x3FBA] =	sst s10  }
0x32: {  	s10 =	sld [smem:$0x3FB8];
	_ =	sdelay $0x3  }
0x33: {  	p0 =	seq.s32 s10, $0x1;
	s10 =	sld [smem:$0x3FBA];
	_ =	sdelay $0x3  }
0x34: {  	[smem:$0x3FBA] =	sst s10  }
0x35: {  	s10 =	sld [smem:$0x3FB9];
	_ =	sdelay $0x3  }
0x36: {  	p1 =	seq.s32 s10, $0x1;
	s10 =	sld [smem:$0x3FBA];
	_ =	sdelay $0x3  }
0x37: {  	[smem:$0x3FBA] =	sst s10  }
0x38: {  	s10 =	sld [smem:$0x3FBB]  }
0x39: {  	_ = 	snop;
	(pc) =	sbr.ind lr, $3  }
0x3a: {  	_ = 	snop  }
0x3b: {  	_ = 	snop  }
0x3c: {  	p2 =	seq.s32 s10, $0x1;
	s10 =	sld [smem:$0x3FBA]  }
0x3d: {  	_ =	shalt  }
0x3e: {  	_ =	shalt  }
0x3f: {  	_ =	shalt  }
0x40: {  	_ =	shalt  }
0x41: {  	_ =	shalt  }
0x42: {  	_ =	shalt  }
0x43: {  	_ =	shalt  }
0x44: {  	_ =	shalt  }
0x45: {  	_ =	shalt  }
0x46: {  	_ =	shalt  }
0x47: {  	_ =	shalt  }
0x48: {  	_ =	shalt  }
0x49: {  	_ =	shalt  }
0x4a: {  	_ =	shalt  }
0x4b: {  	_ =	shalt  }
0x4c: {  	_ =	shalt  }
0x4d: {  	_ =	shalt  }
0x4e: {  	_ =	shalt  }
0x4f: {  	_ =	shalt  }
0x50: {  	_ =	shalt  }
0x51: {  	_ =	shalt  }
0x52: {  	_ =	shalt  }
0x53: {  	_ =	shalt  }
0x54: {  	_ =	shalt  }
0x55: {  	_ =	shalt  }
0x56: {  	_ =	shalt  }
0x57: {  	_ =	shalt  }
0x58: {  	_ =	shalt  }
0x59: {  	_ =	shalt  }
0x5a: {  	_ =	shalt  }
0x5b: {  	_ =	shalt  }
0x5c: {  	_ =	shalt  }
0x5d: {  	_ =	shalt  }
0x5e: {  	_ =	shalt  }
0x5f: {  	_ =	shalt  }
0x60: {  	_ =	shalt  }
0x61: {  	_ =	shalt  }
0x62: {  	_ =	shalt  }
0x63: {  	_ =	shalt  }
0x64: {  	_ =	shalt  }
0x65: {  	_ =	shalt  }
0x66: {  	_ =	shalt  }
0x67: {  	_ =	shalt  }
0x68: {  	_ =	shalt  }
0x69: {  	_ =	shalt  }
0x6a: {  	_ =	shalt  }
0x6b: {  	_ =	shalt  }
0x6c: {  	_ =	shalt  }
0x6d: {  	_ =	shalt  }
0x6e: {  	_ =	shalt  }
0x6f: {  	_ =	shalt  }
0x70: {  	_ =	shalt  }
0x71: {  	_ =	shalt  }
0x72: {  	_ =	shalt  }
0x73: {  	_ =	shalt  }
0x74: {  	_ =	shalt  }
0x75: {  	_ =	shalt  }
0x76: {  	_ =	shalt  }
0x77: {  	_ =	shalt  }
0x78: {  	_ =	shalt  }
0x79: {  	_ =	shalt  }
0x7a: {  	_ =	shalt  }
0x7b: {  	_ =	shalt  }
0x7c: {  	_ =	shalt  }
0x7d: {  	_ =	shalt  }
0x7e: {  	_ =	shalt  }
0x7f: {  	_ =	shalt  }
0x80: {  	_ =	shalt  }
0x81: {  	_ =	shalt  }
0x82: {  	_ =	shalt  }
0x83: {  	_ =	shalt  }
0x84: {  	_ =	shalt  }
0x85: {  	_ =	shalt  }
0x86: {  	_ =	shalt  }
0x87: {  	_ =	shalt  }
.Lfunc_end0:
.L_simem_size_0:
called_computation_lowered:
.L_overlay_start_0:
0x88: {  	s2 =	sld [smem:$0x3FD9]  }
0x89: {  	s3 =	sld [smem:$0x3FFE];
	_ =	sdelay $0x1  }
0x8a: {  	s1 =	srdreg.scid  }
0x8b: {  	s0 =	sand.u32 $0x1, s1  }
0x8c: {  	s17 =	sshll.u32 s0, $0xA;
	s2 =	sadd.s32 s3, s2  }
0x8d: {  	s2 =	sadd.s32 s2, s17  }
0x8e: {  	[smem:$0x3FC6] =	sst s2  }
0x8f: {  	_ = 	snop  }
0x90: {  	s2 =	sld [smem:$0x3FC8]  }
0x91: {  	s18 =	sld [smem:$0x3FD0];
	(tm) =	ssettm $0x1  }
0x92: {  	s4 =	sld [smem:$0x3FFB];
	_ =	sdelay $0x3  }
0x93: {  	_ =	strace s4  }
0x94: {  	s4 =	sld [smem:$0x3FFC];
	_ =	sdelay $0x3  }
0x95: {  	_ =	strace s4  }
0x96: {  	s4 =	sld [smem:$0x3FFD];
	_ =	sdelay $0x3  }
0x97: {  	_ =	strace s4  }
0x98: {  	_ =	strace $0x8FFFFFFF  }
0x99: {  	s19 =	sld [smem:$0x3FDB];
	_ =	sdelay $0x1  }
0x9a: {  	s5 =	simm.s32 $_scs_section_size  }
0x9b: {  	s6 =	simm.s32 $_size__tile_overlayer_lowered;
	s7 =	simm.s32 $_tile_overlayer_lowered  }
0x9c: {  	s22 =	simm.s32 $0x1BFF;
	s21 =	sshll.u32 s7, $0x1;
	s4 =	sadd.s32 s5, s19  }
0x9d: {  	s8 =	simm.s32 $0x0;
	s20 =	sshll.u32 s6, $0x1;
	s6 =	sadd.s32 s21, s4  }
0x9e: {  	[timem:s8], [sflag:s22] =	dma.local [hbm:s6], s20  }
0x9f: {  	_ =	swait.ge [sflag:s22], s20  }
0xa0: {  	s5 =	ssub.s32 $0x0, s20;
	[sflag:s22] =	ssyncset.done $0x0  }
0xa1: {  	[sflag:s22] =	ssyncadd.s32 s5;
	_ =	sdelay $0x1  }
0xa2: {  	s23 =	simm.s32 $0x1B8B  }
0xa3: {  	_ =	swait.ge [sflag:s23], $0x1  }
0xa4: {  	[sflag:s23] =	ssyncset.done $0x0  }
0xa5: {  	s25 =	simm.s32 $0x1B8E;
	s24 =	sld [smem:$0x3FFE];
	[sflag:s23] =	ssyncadd.s32 $0xFFFFFFFF  }
0xa6: {  	s26 =	simm.s32 $execute0_lowered;
	[smem:$0x3FD2] =	sst s25  }
0xa7: {  	s6 =	sshll.u32 s26, $0x1;
	_ =	strace $0x80000046;
	[dreg:$0x1] =	wrdreg $0xFFFFFFFF  }
0xa8: {  	s28 =	simm.s32 $_size_execute0_lowered;
	s4 =	sadd.s32 s4, s6;
	[dreg:$0x0] =	wrdreg $0x0  }
0xa9: {  	s6 =	sshll.u32 s28, $0x1;
	[dreg:$0x2] =	wrdreg s4  }
0xaa: {  	[dreg:$0x3] =	wrdreg s6  }
0xab: {  	[dreg:$0x4] =	wrdreg $0xC0  }
0xac: {  	_ =	task [dreg:s8], $0x5FFFF  }
0xad: {  	[dreg:$0x1] =	wrdreg $0xFFFFFFFF  }
0xae: {  	[dreg:$0x0] =	wrdreg $0x60  }
0xaf: {  	[dreg:$0x2] =	wrdreg s2  }
0xb0: {  	[dreg:$0x3] =	wrdreg s24  }
0xb1: {  	[dreg:$0x4] =	wrdreg s18  }
0xb2: {  	[dreg:$0x5] =	wrdreg $0x9  }
0xb3: {  	_ =	task.clear_ibuf [dreg:s8], $0x6FFFF;
	_ =	strace $0x90000046  }
0xb4: {  	s29 =	simm.s32 $0x9;
	_ =	strace $0x80000048  }
0xb5: {  	_ =	swait.ge [sflag:s29], $0x1  }
0xb6: {  	[sflag:s29] =	ssyncadd.s32 $0xFFFFFFFF  }
0xb7: {  	_ =	strace $0x90000048  }
0xb8: {  	_ =	sfence  }
0xb9: {  	s30 =	sld [smem:$0x0];
	_ =	sdelay $0x2  }
0xba: {  	s31 =	sshll.u32 s1, $0xD;
	s1 =	sshrl.u32 s1, $0x2  }
0xbb: {  	s3 =	sand.u32 $0x4000, s31;
	s1 =	sadd.s32 s1, s30  }
0xbc: {  	s0 =	sor.u32 s3, s0;
	s1 =	sshll.u32 s1, $0x11  }
0xbd: {  	s0 =	sor.u32 s1, s0  }
0xbe: {  	s0 =	sadd.s32 $0x8F2B, s0  }
0xbf: {  	[sflag:s0] =	ssyncadd.remote.s32 $0x1  }
0xc0: {  	_ =	sfence.sel $0xFFFF  }
0xc1: {  	[dreg:$0x0] =	wrdreg $0xFFFFFFFF;
	(pc) =	sbr.abs _section_cstart, $3  }
0xc2: {  	[dreg:$0x1] =	wrdreg $0xFFFFFFFF  }
0xc3: {  	_ =	task.clear_ibuf [dreg:s8], $0x2FFFF;
	_ =	strace $0x9FFFFFFF  }
0xc4: {  	(tm) =	ssettm $0x7FFFFFFF  }
0xc5: {  	_ =	shalt  }
tec
execute0_lowered:
.L_overlay_start_1:
0x0: {  	(tag) =	ssettag $0x1  }
0x1: {  	s1 =	rddreg [dreg:$0x0]  }
0x2: {  	s2 =	srdreg.scid;
	s4 =	rddreg [dreg:$0x1]  }
0x3: {  	s0 =	stileid.u32;
	s8 =	rddreg [dreg:$0x2];
	s6 =	sand.u32 $0x1, s2  }
0x4: {  	s3 =	simm.s32 $0x0;
	s5 =	sshll.u32 s0, $0x8;
	s7 =	sshll.u32 s6, $0x7  }
0x5: {  	[smem:$0x7FF] =	sst s3;
	s9 =	sor.u32 s7, s5  }
0x6: {  	s2 =	rddreg [dreg:$0x3];
	_ =	strace $0x80000047;
	s5 =	sshrl.u32 s9, $0x3  }
0x7: {  	s10 =	ssub.s32 $0x2, s6;
	s5 =	sadd.s32 s4, s5;
	s4 =	simm.s32 $0x2  }
0x8: {  	[tilespmem:s3], [sflag:$0x2] =	stream.linear.gather [hbm4b:s5+s3], $0x80, $0x38;
	[tilespmem:$0x4080] =	vst v63  }
0x9: {  	s11 =	sshrl.u32 s10, $0x1;
	_ =	swait.ge [sflag:s4], $0x80  }
0xa: {  	s6 =	simm.s32 $0x80;
	s10 =	ssub.s32 s10, s11;
	[sflag:s4] =	ssyncset.done $0x0  }
0xb: {  	s7 =	simm.s32 $0x1;
	s31 =	smax.u32 s10, $0x1;
	[sflag:s4] =	ssyncadd.s32 $0xFFFFFF80  }
0xc: {  	[tilespmem:s6], [sflag:$0x1] =	stream.indirect.gather [hbm4b:s1+s6], $0x80, s3, s6, $0xb8;
	[tilespmem:$0x4080] =	vst v63  }
0xd: {  	p0 =	sne.s32 s31, $0x1;
	_ =	swait.ge [sflag:s7], $0x4000  }
.Ltmp0:
0xe: {  	s9 =	sshll.u32 s9, $0x4;
	[sflag:s7] =	ssyncset.done $0x0;
	(pc) =	sbr.rel @!p0 .LBB2_2-.Ltmp0, $4  }
0xf: {  	s8 =	sadd.s32 s8, s9;
	[sflag:s7] =	ssyncadd.s32 $0xFFFFC000  }
0x10: {  	[hbm4b:s8+s3] =	stream.linear.scatter [tilespmem:s6], [sflag:$0x2], $0x4000, $0x38;
	[tilespmem:$0x4080] =	vst v63  }
0x11: {  	_ =	swait.ge [sflag:s4], $0x4000  }
0x12: {  	s9 =	sadd.s32 $0xFFFFFFFF, s31;
	[sflag:s4] =	ssyncset.done $0x0  }
.LBB2_1:
0x13: {  	p0 =	sne.s32 s9, $0x1;
	s9 =	sadd.s32 $0xFFFFFFFF, s9;
	[sflag:s4] =	ssyncadd.s32 $0xFFFFC000  }
0x14: {  	[tilespmem:s3], [sflag:$0x2] =	stream.linear.gather [hbm4b:s5+s3], $0x80, $0x38;
	[tilespmem:$0x4080] =	vst v63  }
0x15: {  	_ =	swait.ge [sflag:s4], $0x80  }
0x16: {  	[sflag:s4] =	ssyncset.done $0x0  }
0x17: {  	[sflag:s4] =	ssyncadd.s32 $0xFFFFFF80  }
0x18: {  	[tilespmem:s6], [sflag:$0x1] =	stream.indirect.gather [hbm4b:s1+s6], $0x80, s3, s6, $0xb8;
	[tilespmem:$0x4080] =	vst v63  }
0x19: {  	_ =	swait.ge [sflag:s7], $0x4000  }
.Ltmp1:
0x1a: {  	[sflag:s7] =	ssyncset.done $0x0;
	(pc) =	sbr.rel @p0 .LBB2_1-.Ltmp1, $4  }
0x1b: {  	[sflag:s7] =	ssyncadd.s32 $0xFFFFC000  }
0x1c: {  	[hbm4b:s8+s3] =	stream.linear.scatter [tilespmem:s6], [sflag:$0x2], $0x4000, $0x38;
	[tilespmem:$0x4080] =	vst v63  }
0x1d: {  	_ =	swait.ge [sflag:s4], $0x4000  }
0x1e: {  	[sflag:s4] =	ssyncset.done $0x0  }
.LBB2_2:
0x1f: {  	[sflag:s4] =	ssyncadd.s32 $0xFFFFC000  }
0x20: {  	_ =	sfence.sel $0x180000  }
0x21: {  	[bflag:$0x0] =	sbarrier.arrive $0xFFFF  }
0x22: {  	p0 =	sne.s32 s0, $0x0;
	_ =	strace $0x90000047  }
0x23: {  	s0 =	sadd.s32 @!p0 $0x100000, s2;
	[bflag:$0x2] =	sbarrier.arrive $0xFFFF  }
0x24: {  	[sflag:s0] =	ssyncadd.tile.s32 @!p0 $0x1;
	_ =	shalt  }
.Lfunc_end2:
_tile_overlayer_lowered:
.L_overlay_start_2:
0x25: {  	(tag) =	ssettag $0x2  }
0x26: {  	s0 =	rddreg [dreg:$0x0];
	s2 =	stileid.u32  }
0x27: {  	s1 =	rddreg [dreg:$0x1];
	p0 =	sne.s32 s2, $0x0  }
0x28: {  	s3 =	rddreg [dreg:$0x2];
	[bflag:$0x3] =	sbarrier.arrive $0xFFFF;
	s2 =	simm.s32 @!p0 $0x1C02  }
0x29: {  	[timem:s3], [sflag:s2] =	dma.local @!p0 [hbm:s0], s1  }
0x2a: {  	s0 =	simm.s32 @!p0 $0x2  }
0x2b: {  	_ =	swait.ge @!p0 [sflag:s0], s1  }
0x2c: {  	s1 =	ssub.s32 @!p0 $0x0, s1;
	[sflag:s0] =	ssyncset.done @!p0 $0x0  }
0x2d: {  	[sflag:s0] =	ssyncadd.s32 @!p0 s1  }
0x2e: {  	[bflag:$0x3] =	sbarrier.arrive $0xFFFF  }
0x2f: {  	_ =	shalt  }

</sc_bundles>
